<compile_context>
chip_gen: v7x
topology: tpu7x:2x2x1
jax: 0.10.2.dev20260603
libtpu: 0.0.44.dev20260713+nightly
codegen_flags: <defaults>
</compile_context>

<pallas_src>
import functools

import jax
import jax.numpy as jnp
from jax import lax
from jax.experimental import pallas as pl
from jax.experimental.pallas import tpu as pltpu
from jax.experimental.pallas import tpu_sc as plsc

_EMB = 128
_CHUNK = 128
_NBUF = 3


@functools.lru_cache(maxsize=None)
def _build(total: int, vocab: int):
    info = plsc.get_sparse_core_info()
    nc, ns = info.num_cores, info.num_subcores
    nw = nc * ns
    assert total % (nw * _CHUNK) == 0
    n_chunks = total // (nw * _CHUNK)

    mesh = plsc.VectorSubcoreMesh(core_axis_name="c", subcore_axis_name="s")

    @functools.partial(
        pl.kernel,
        out_type=jax.ShapeDtypeStruct((total, _EMB), jnp.float32),
        mesh=mesh,
        scratch_types=[
            pltpu.VMEM((n_chunks * _CHUNK,), jnp.int32),
            pltpu.VMEM((_NBUF, _CHUNK, _EMB), jnp.float32),
            pltpu.SemaphoreType.DMA,
            pltpu.SemaphoreType.DMA,
        ],
    )
    def gather_kernel(idx_hbm, table_hbm, out_hbm, idx_v, rows_v, gsem, osem):
        wid = lax.axis_index("s") * nc + lax.axis_index("c")
        row0 = wid * n_chunks

        pltpu.sync_copy(idx_hbm.at[pl.ds(row0 * _CHUNK, n_chunks * _CHUNK)], idx_v)

        def gather_copy(j, buf):
            return pltpu.make_async_copy(
                table_hbm.at[idx_v.at[pl.ds(j * _CHUNK, _CHUNK)]],
                rows_v.at[buf],
                gsem,
            )

        def wb_copy(j, buf):
            return pltpu.make_async_copy(
                rows_v.at[buf],
                out_hbm.at[pl.ds((row0 + j) * _CHUNK, _CHUNK)],
                osem,
            )

        gather_copy(0, 0).start()

        def body(j, _):
            bj = lax.rem(j, _NBUF)
            bn = lax.rem(j + 1, _NBUF)

            @pl.when(j >= 2)
            def _():
                wb_copy(j - 2, bn).wait()

            @pl.when(j + 1 < n_chunks)
            def _():
                gather_copy(j + 1, bn).start()

            gather_copy(j, bj).wait()
            wb_copy(j, bj).start()
            return ()

        lax.fori_loop(0, n_chunks, body, ())

        wb_copy(n_chunks - 2, (n_chunks - 2) % _NBUF).wait()
        wb_copy(n_chunks - 1, (n_chunks - 1) % _NBUF).wait()

    return gather_kernel


def kernel(inputs, table):
    b, s, n = inputs.shape
    total = b * s * n
    idx1d = inputs.reshape(total).astype(jnp.int32)
    out = _build(total, table.shape[0])(idx1d, table)
    return out.reshape(b, s, n, table.shape[1])

# --- scband reference (transcript-rebuilt; emitter-appended) ---
"""Pipeline reference for scband-all2-all-dense-embedding-76828374991711 (READ-ONLY COPY).

The authoritative reference and input builder live on the scoring server;
editing this copy changes nothing except your own understanding.
"""

import jax, jax.numpy as jnp
import numpy as np

MAX_VOCAB = 100000
EMB_DIM = 128
BATCH = 4096
SLOT_NUM = 26
NNZ = 1


def setup_inputs(seed: int = 0) -> dict:
    key = jax.random.key(seed)
    k_idx, k_tab = jax.random.split(key)
    inputs = jax.random.randint(k_idx, (BATCH, SLOT_NUM, NNZ), 0, MAX_VOCAB, dtype=jnp.int64) if jax.config.jax_enable_x64 else jax.random.randint(k_idx, (BATCH, SLOT_NUM, NNZ), 0, MAX_VOCAB, dtype=jnp.int32)
    # embedding table initialized like SOK default: random_uniform(-0.05, 0.05)
    table = jax.random.uniform(k_tab, (MAX_VOCAB, EMB_DIM), dtype=jnp.float32, minval=-0.05, maxval=0.05)
    return {"inputs": inputs, "table": table}


def reference(inputs, table):
    # use_hashtable=False: keys are direct row indices into the embedding variable.
    # dense gather: emb_vector[b, s, n, :] = table[inputs[b, s, n], :]
    # output shape: [batch, slot_num, nnz_per_slot, embedding_vec_size]
    emb_vector = jnp.take(table, inputs, axis=0)
    return emb_vector

if __name__ == "__main__":
    import jax
    _d = setup_inputs()
    print(jax.jit(kernel)(*tuple(_d.values())))

</pallas_src>

<mosaic_0001>
#map = affine_map<(d0, d1) -> (0)>
#map1 = affine_map<(d0, d1) -> (0, 0)>
module attributes {stable_mosaic.version = 14 : i64} {
  func.func @gather_kernel(%arg0: i32, %arg1: i32, %arg2: memref<106496xi32, #tpu.memory_space<hbm>>, %arg3: memref<100000x128xf32, #tpu.memory_space<hbm>>, %arg4: memref<106496x128xf32, #tpu.memory_space<hbm>>, %arg5: memref<3328xi32, #tpu.memory_space<vmem>>, %arg6: memref<3x128x128xf32, #tpu.memory_space<vmem>>, %arg7: memref<!tpu.dma_semaphore, #tpu.memory_space<semaphore_mem>>, %arg8: memref<!tpu.dma_semaphore, #tpu.memory_space<semaphore_mem>>) attributes {dimension_semantics = [#tpu.dimension_semantics<core_parallel>, #tpu.dimension_semantics<subcore_parallel>], iteration_bounds = array<i64: 2, 16>, scalar_prefetch = 0 : i64, scratch_operands = 4 : i64, tpu.core_type = #tpu.core_type<sc_vector_subcore>, window_params = [{transform_indices = #map}, {transform_indices = #map1}, {transform_indices = #map1}]} {
    %mul3A = arith.constant 2 : i32
    %mul3A_0 = arith.muli %arg1, %mul3A : i32
    %add3A = arith.addi %mul3A_0, %arg0 : i32
    %mul3A_1 = arith.constant 26 : i32
    %mul3A_2 = arith.muli %add3A, %mul3A_1 : i32
    %mul3A_3 = arith.constant 128 : i32
    %mul3A_4 = arith.muli %mul3A_2, %mul3A_3 : i32
    "tpu.region"() ({
      %run_scoped3A = tpu.sem_alloc : memref<!tpu.dma_semaphore, #tpu.memory_space<semaphore_mem>>
      %dma_start3A_51 = tpu.memref_slice %arg2[%mul3A_4] : memref<106496xi32, #tpu.memory_space<hbm>> -> memref<3328xi32, #tpu.memory_space<hbm>>
      %dma_start3A_52 = tpu.memref_slice %arg2[%mul3A_4] : memref<106496xi32, #tpu.memory_space<hbm>> -> memref<3328xi32, #tpu.memory_space<hbm>>
      tpu.enqueue_dma source(%dma_start3A_52 : memref<3328xi32, #tpu.memory_space<hbm>>) target(%arg5 : memref<3328xi32, #tpu.memory_space<vmem>>) target_semaphore(%run_scoped3A : memref<!tpu.dma_semaphore, #tpu.memory_space<semaphore_mem>>)
      %dma_wait3A_53 = tpu.memref_slice %arg2[%mul3A_4] : memref<106496xi32, #tpu.memory_space<hbm>> -> memref<3328xi32, #tpu.memory_space<hbm>>
      %dma_wait3A_54 = tpu.memref_slice %arg2[%mul3A_4] : memref<106496xi32, #tpu.memory_space<hbm>> -> memref<3328xi32, #tpu.memory_space<hbm>>
      tpu.wait_dma2 semaphore(%run_scoped3A : memref<!tpu.dma_semaphore, #tpu.memory_space<semaphore_mem>>) src(%dma_wait3A_54 : memref<3328xi32, #tpu.memory_space<hbm>>) dst(%arg5 : memref<3328xi32, #tpu.memory_space<vmem>>)
      tpu.yield
    }) : () -> ()
    %dma_start3A = arith.constant 0 : i32
    %dma_start3A_5 = arith.constant 0 : i32
    %dma_start3A_6 = arith.constant 0 : i32
    %dma_start3A_7 = tpu.memref_slice %arg6[%dma_start3A, %dma_start3A_5, %dma_start3A_6] : memref<3x128x128xf32, #tpu.memory_space<vmem>> -> memref<1x128x128xf32, #tpu.memory_space<vmem>>
    %dma_start3A_8 = tpu.memref_squeeze %dma_start3A_7 : memref<1x128x128xf32, #tpu.memory_space<vmem>> -> memref<128x128xf32, #tpu.memory_space<vmem>>
    %dma_start3A_9 = arith.constant 0 : i32
    %dma_start3A_10 = tpu.memref_slice %arg5[%dma_start3A_9] : memref<3328xi32, #tpu.memory_space<vmem>> -> memref<128xi32, #tpu.memory_space<vmem>>
    %dma_start3A_11 = arith.constant 0 : i32
    %dma_start3A_12 = arith.constant 0 : i32
    %dma_start3A_13 = tpu.memref_slice %arg3[%dma_start3A_11, %dma_start3A_12] : memref<100000x128xf32, #tpu.memory_space<hbm>> -> memref<100000x128xf32, #tpu.memory_space<hbm>>
    tpu.enqueue_indirect_dma source(%dma_start3A_13 : memref<100000x128xf32, #tpu.memory_space<hbm>>) target(%dma_start3A_8 : memref<128x128xf32, #tpu.memory_space<vmem>>) offsets(%dma_start3A_10 : memref<128xi32, #tpu.memory_space<vmem>>) semaphore(%arg7 : memref<!tpu.dma_semaphore, #tpu.memory_space<semaphore_mem>>)
    %scan3A = arith.constant 0 : i32
    %scan3A_14 = arith.constant 26 : i32
    %scan3A_15 = arith.addi %scan3A, %scan3A_14 : i32
    %scan3A_16 = arith.constant 1 : i32
    scf.for %scan3A_51 = %scan3A to %scan3A_15 step %scan3A_16  : i32 {
      %rem3A = arith.constant 3 : i32
      %rem3A_52 = arith.remsi %scan3A_51, %rem3A : i32
      %add3A_53 = arith.constant 1 : i32
      %add3A_54 = arith.addi %scan3A_51, %add3A_53 : i32
      %rem3A_55 = arith.constant 3 : i32
      %rem3A_56 = arith.remsi %add3A_54, %rem3A_55 : i32
      %ge3A = arith.constant 2 : i32
      %ge3A_57 = arith.cmpi sge, %scan3A_51, %ge3A : i32
      %convert_element_type3A = arith.extui %ge3A_57 : i1 to i32
      %cond3A = arith.constant 0 : i32
      %cond3A_58 = arith.cmpi ne, %convert_element_type3A, %cond3A : i32
      scf.if %cond3A_58 {
        %sub3A = arith.constant 2 : i32
        %sub3A_90 = arith.subi %scan3A_51, %sub3A : i32
        %add3A_91 = arith.addi %mul3A_2, %sub3A_90 : i32
        %mul3A_92 = arith.constant 128 : i32
        %mul3A_93 = arith.muli %add3A_91, %mul3A_92 : i32
        %dma_wait3A_94 = arith.constant 0 : i32
        %dma_wait3A_95 = arith.constant 0 : i32
        %dma_wait3A_96 = tpu.memref_slice %arg6[%rem3A_56, %dma_wait3A_94, %dma_wait3A_95] : memref<3x128x128xf32, #tpu.memory_space<vmem>> -> memref<1x128x128xf32, #tpu.memory_space<vmem>>
        %dma_wait3A_97 = tpu.memref_squeeze %dma_wait3A_96 : memref<1x128x128xf32, #tpu.memory_space<vmem>> -> memref<128x128xf32, #tpu.memory_space<vmem>>
        %dma_wait3A_98 = arith.constant 0 : i32
        %dma_wait3A_99 = tpu.memref_slice %arg4[%mul3A_93, %dma_wait3A_98] : memref<106496x128xf32, #tpu.memory_space<hbm>> -> memref<128x128xf32, #tpu.memory_space<hbm>>
        %dma_wait3A_100 = arith.constant 0 : i32
        %dma_wait3A_101 = tpu.memref_slice %arg4[%mul3A_93, %dma_wait3A_100] : memref<106496x128xf32, #tpu.memory_space<hbm>> -> memref<128x128xf32, #tpu.memory_space<hbm>>
        %dma_wait3A_102 = arith.constant 0 : i32
        %dma_wait3A_103 = arith.constant 0 : i32
        %dma_wait3A_104 = tpu.memref_slice %arg6[%rem3A_56, %dma_wait3A_102, %dma_wait3A_103] : memref<3x128x128xf32, #tpu.memory_space<vmem>> -> memref<1x128x128xf32, #tpu.memory_space<vmem>>
        %dma_wait3A_105 = tpu.memref_squeeze %dma_wait3A_104 : memref<1x128x128xf32, #tpu.memory_space<vmem>> -> memref<128x128xf32, #tpu.memory_space<vmem>>
        tpu.wait_dma2 semaphore(%arg8 : memref<!tpu.dma_semaphore, #tpu.memory_space<semaphore_mem>>) src(%dma_wait3A_105 : memref<128x128xf32, #tpu.memory_space<vmem>>) dst(%dma_wait3A_101 : memref<128x128xf32, #tpu.memory_space<hbm>>)
      } else {
      }
      %add3A_59 = arith.constant 1 : i32
      %add3A_60 = arith.addi %scan3A_51, %add3A_59 : i32
      %lt3A = arith.constant 26 : i32
      %lt3A_61 = arith.cmpi slt, %add3A_60, %lt3A : i32
      %convert_element_type3A_62 = arith.extui %lt3A_61 : i1 to i32
      %cond3A_63 = arith.constant 0 : i32
      %cond3A_64 = arith.cmpi ne, %convert_element_type3A_62, %cond3A_63 : i32
      scf.if %cond3A_64 {
        %add3A_90 = arith.constant 1 : i32
        %add3A_91 = arith.addi %scan3A_51, %add3A_90 : i32
        %mul3A_92 = arith.constant 128 : i32
        %mul3A_93 = arith.muli %add3A_91, %mul3A_92 : i32
        %dma_start3A_94 = arith.constant 0 : i32
        %dma_start3A_95 = arith.constant 0 : i32
        %dma_start3A_96 = tpu.memref_slice %arg6[%rem3A_56, %dma_start3A_94, %dma_start3A_95] : memref<3x128x128xf32, #tpu.memory_space<vmem>> -> memref<1x128x128xf32, #tpu.memory_space<vmem>>
        %dma_start3A_97 = tpu.memref_squeeze %dma_start3A_96 : memref<1x128x128xf32, #tpu.memory_space<vmem>> -> memref<128x128xf32, #tpu.memory_space<vmem>>
        %dma_start3A_98 = tpu.memref_slice %arg5[%mul3A_93] : memref<3328xi32, #tpu.memory_space<vmem>> -> memref<128xi32, #tpu.memory_space<vmem>>
        %dma_start3A_99 = arith.constant 0 : i32
        %dma_start3A_100 = arith.constant 0 : i32
        %dma_start3A_101 = tpu.memref_slice %arg3[%dma_start3A_99, %dma_start3A_100] : memref<100000x128xf32, #tpu.memory_space<hbm>> -> memref<100000x128xf32, #tpu.memory_space<hbm>>
        tpu.enqueue_indirect_dma source(%dma_start3A_101 : memref<100000x128xf32, #tpu.memory_space<hbm>>) target(%dma_start3A_97 : memref<128x128xf32, #tpu.memory_space<vmem>>) offsets(%dma_start3A_98 : memref<128xi32, #tpu.memory_space<vmem>>) semaphore(%arg7 : memref<!tpu.dma_semaphore, #tpu.memory_space<semaphore_mem>>)
      } else {
      }
      %mul3A_65 = arith.constant 128 : i32
      %mul3A_66 = arith.muli %scan3A_51, %mul3A_65 : i32
      %dma_wait3A_67 = arith.constant 0 : i32
      %dma_wait3A_68 = arith.constant 0 : i32
      %dma_wait3A_69 = tpu.memref_slice %arg6[%rem3A_52, %dma_wait3A_67, %dma_wait3A_68] : memref<3x128x128xf32, #tpu.memory_space<vmem>> -> memref<1x128x128xf32, #tpu.memory_space<vmem>>
      %dma_wait3A_70 = tpu.memref_squeeze %dma_wait3A_69 : memref<1x128x128xf32, #tpu.memory_space<vmem>> -> memref<128x128xf32, #tpu.memory_space<vmem>>
      %dma_wait3A_71 = tpu.memref_slice %arg5[%mul3A_66] : memref<3328xi32, #tpu.memory_space<vmem>> -> memref<128xi32, #tpu.memory_space<vmem>>
      %dma_wait3A_72 = arith.constant 0 : i32
      %dma_wait3A_73 = arith.constant 0 : i32
      %dma_wait3A_74 = tpu.memref_slice %arg3[%dma_wait3A_72, %dma_wait3A_73] : memref<100000x128xf32, #tpu.memory_space<hbm>> -> memref<100000x128xf32, #tpu.memory_space<hbm>>
      tpu.wait_indirect_dma semaphore(%arg7 : memref<!tpu.dma_semaphore, #tpu.memory_space<semaphore_mem>>) src(%dma_wait3A_74 : memref<100000x128xf32, #tpu.memory_space<hbm>>) dst(%dma_wait3A_70 : memref<128x128xf32, #tpu.memory_space<vmem>>)
      %add3A_75 = arith.addi %mul3A_2, %scan3A_51 : i32
      %mul3A_76 = arith.constant 128 : i32
      %mul3A_77 = arith.muli %add3A_75, %mul3A_76 : i32
      %dma_start3A_78 = arith.constant 0 : i32
      %dma_start3A_79 = arith.constant 0 : i32
      %dma_start3A_80 = tpu.memref_slice %arg6[%rem3A_52, %dma_start3A_78, %dma_start3A_79] : memref<3x128x128xf32, #tpu.memory_space<vmem>> -> memref<1x128x128xf32, #tpu.memory_space<vmem>>
      %dma_start3A_81 = tpu.memref_squeeze %dma_start3A_80 : memref<1x128x128xf32, #tpu.memory_space<vmem>> -> memref<128x128xf32, #tpu.memory_space<vmem>>
      %dma_start3A_82 = arith.constant 0 : i32
      %dma_start3A_83 = tpu.memref_slice %arg4[%mul3A_77, %dma_start3A_82] : memref<106496x128xf32, #tpu.memory_space<hbm>> -> memref<128x128xf32, #tpu.memory_space<hbm>>
      %dma_start3A_84 = arith.constant 0 : i32
      %dma_start3A_85 = tpu.memref_slice %arg4[%mul3A_77, %dma_start3A_84] : memref<106496x128xf32, #tpu.memory_space<hbm>> -> memref<128x128xf32, #tpu.memory_space<hbm>>
      %dma_start3A_86 = arith.constant 0 : i32
      %dma_start3A_87 = arith.constant 0 : i32
      %dma_start3A_88 = tpu.memref_slice %arg6[%rem3A_52, %dma_start3A_86, %dma_start3A_87] : memref<3x128x128xf32, #tpu.memory_space<vmem>> -> memref<1x128x128xf32, #tpu.memory_space<vmem>>
      %dma_start3A_89 = tpu.memref_squeeze %dma_start3A_88 : memref<1x128x128xf32, #tpu.memory_space<vmem>> -> memref<128x128xf32, #tpu.memory_space<vmem>>
      tpu.enqueue_dma source(%dma_start3A_89 : memref<128x128xf32, #tpu.memory_space<vmem>>) target(%dma_start3A_85 : memref<128x128xf32, #tpu.memory_space<hbm>>) target_semaphore(%arg8 : memref<!tpu.dma_semaphore, #tpu.memory_space<semaphore_mem>>)
    }
    %scan3A_17 = arith.constant 26 : i32
    %add3A_18 = arith.constant 24 : i32
    %add3A_19 = arith.addi %mul3A_2, %add3A_18 : i32
    %mul3A_20 = arith.constant 128 : i32
    %mul3A_21 = arith.muli %add3A_19, %mul3A_20 : i32
    %dma_wait3A = arith.constant 0 : i32
    %dma_wait3A_22 = arith.constant 0 : i32
    %dma_wait3A_23 = arith.constant 0 : i32
    %dma_wait3A_24 = tpu.memref_slice %arg6[%dma_wait3A, %dma_wait3A_22, %dma_wait3A_23] : memref<3x128x128xf32, #tpu.memory_space<vmem>> -> memref<1x128x128xf32, #tpu.memory_space<vmem>>
    %dma_wait3A_25 = tpu.memref_squeeze %dma_wait3A_24 : memref<1x128x128xf32, #tpu.memory_space<vmem>> -> memref<128x128xf32, #tpu.memory_space<vmem>>
    %dma_wait3A_26 = arith.constant 0 : i32
    %dma_wait3A_27 = tpu.memref_slice %arg4[%mul3A_21, %dma_wait3A_26] : memref<106496x128xf32, #tpu.memory_space<hbm>> -> memref<128x128xf32, #tpu.memory_space<hbm>>
    %dma_wait3A_28 = arith.constant 0 : i32
    %dma_wait3A_29 = tpu.memref_slice %arg4[%mul3A_21, %dma_wait3A_28] : memref<106496x128xf32, #tpu.memory_space<hbm>> -> memref<128x128xf32, #tpu.memory_space<hbm>>
    %dma_wait3A_30 = arith.constant 0 : i32
    %dma_wait3A_31 = arith.constant 0 : i32
    %dma_wait3A_32 = tpu.memref_slice %arg6[%dma_wait3A, %dma_wait3A_30, %dma_wait3A_31] : memref<3x128x128xf32, #tpu.memory_space<vmem>> -> memref<1x128x128xf32, #tpu.memory_space<vmem>>
    %dma_wait3A_33 = tpu.memref_squeeze %dma_wait3A_32 : memref<1x128x128xf32, #tpu.memory_space<vmem>> -> memref<128x128xf32, #tpu.memory_space<vmem>>
    tpu.wait_dma2 semaphore(%arg8 : memref<!tpu.dma_semaphore, #tpu.memory_space<semaphore_mem>>) src(%dma_wait3A_33 : memref<128x128xf32, #tpu.memory_space<vmem>>) dst(%dma_wait3A_29 : memref<128x128xf32, #tpu.memory_space<hbm>>)
    %add3A_34 = arith.constant 25 : i32
    %add3A_35 = arith.addi %mul3A_2, %add3A_34 : i32
    %mul3A_36 = arith.constant 128 : i32
    %mul3A_37 = arith.muli %add3A_35, %mul3A_36 : i32
    %dma_wait3A_38 = arith.constant 1 : i32
    %dma_wait3A_39 = arith.constant 0 : i32
    %dma_wait3A_40 = arith.constant 0 : i32
    %dma_wait3A_41 = tpu.memref_slice %arg6[%dma_wait3A_38, %dma_wait3A_39, %dma_wait3A_40] : memref<3x128x128xf32, #tpu.memory_space<vmem>> -> memref<1x128x128xf32, #tpu.memory_space<vmem>>
    %dma_wait3A_42 = tpu.memref_squeeze %dma_wait3A_41 : memref<1x128x128xf32, #tpu.memory_space<vmem>> -> memref<128x128xf32, #tpu.memory_space<vmem>>
    %dma_wait3A_43 = arith.constant 0 : i32
    %dma_wait3A_44 = tpu.memref_slice %arg4[%mul3A_37, %dma_wait3A_43] : memref<106496x128xf32, #tpu.memory_space<hbm>> -> memref<128x128xf32, #tpu.memory_space<hbm>>
    %dma_wait3A_45 = arith.constant 0 : i32
    %dma_wait3A_46 = tpu.memref_slice %arg4[%mul3A_37, %dma_wait3A_45] : memref<106496x128xf32, #tpu.memory_space<hbm>> -> memref<128x128xf32, #tpu.memory_space<hbm>>
    %dma_wait3A_47 = arith.constant 0 : i32
    %dma_wait3A_48 = arith.constant 0 : i32
    %dma_wait3A_49 = tpu.memref_slice %arg6[%dma_wait3A_38, %dma_wait3A_47, %dma_wait3A_48] : memref<3x128x128xf32, #tpu.memory_space<vmem>> -> memref<1x128x128xf32, #tpu.memory_space<vmem>>
    %dma_wait3A_50 = tpu.memref_squeeze %dma_wait3A_49 : memref<1x128x128xf32, #tpu.memory_space<vmem>> -> memref<128x128xf32, #tpu.memory_space<vmem>>
    tpu.wait_dma2 semaphore(%arg8 : memref<!tpu.dma_semaphore, #tpu.memory_space<semaphore_mem>>) src(%dma_wait3A_50 : memref<128x128xf32, #tpu.memory_space<vmem>>) dst(%dma_wait3A_46 : memref<128x128xf32, #tpu.memory_space<hbm>>)
    return
  }
}

</mosaic_0001>

<sc_bundles>
// kernel: kernel.3.cloned.1.call-start
scs
__scs_entry_jumppad:
0x0: {  	(pc) =	sbr.rel $0x88, $3  }
0x1: {  	(tag) =	ssettag $0x0;
	lr =	simm.s32 $0x1  }
0x2: {  	[smem:$0x3F9F] =	sst lr;
	_ =	strace $0xD0000000  }
0x3: {  	_ = 	snop  }
0x4: {  	_ = 	snop  }
0x5: {  	_ = 	snop  }
0x6: {  	_ = 	snop  }
0x7: {  	_ = 	snop  }
__scs_overlays_trampoline_lowered:
0x8: {  	[smem:$0x3FAE] =	sst s0  }
0x9: {  	[smem:$0x3FAF] =	sst s1  }
0xa: {  	[smem:$0x3FB0] =	sst s2  }
0xb: {  	[smem:$0x3FB1] =	sst s3  }
0xc: {  	[smem:$0x3FB2] =	sst s4  }
0xd: {  	[smem:$0x3FB3] =	sst s5  }
0xe: {  	[smem:$0x3FB4] =	sst s6  }
0xf: {  	[smem:$0x3FB5] =	sst s7  }
0x10: {  	[smem:$0x3FB6] =	sst s8  }
0x11: {  	[smem:$0x3FB7] =	sst s9;
	s0 =	simm.s32 @!p0 $0x0  }
0x12: {  	s1 =	sld [smem:$0x3F9D];
	s0 =	simm.s32 @p0 $0x1  }
0x13: {  	[smem:$0x3FB8] =	sst s0;
	s0 =	simm.s32 @!p1 $0x0  }
0x14: {  	s2 =	sld [smem:$0x3F9C];
	s0 =	simm.s32 @p1 $0x1  }
0x15: {  	[smem:$0x3FB9] =	sst s0;
	s0 =	simm.s32 @!p2 $0x0  }
0x16: {  	s3 =	sld [smem:$0x3FDB];
	s0 =	simm.s32 @p2 $0x1  }
0x17: {  	s4 =	simm.s32 $0x1BF5;
	[smem:$0x3FBB] =	sst s0  }
0x18: {  	s0 =	sld [smem:$0x3F9E];
	_ =	swait.ge [sflag:s4], $0x0  }
0x19: {  	s7 =	sld [smem:$0x3F9F]  }
0x1a: {  	s8 =	sadd.s32 $0xFFFFE003, lr  }
0x1b: {  	s9 =	sadd.s32 $0xFFFFFEF7, lr;
	s5 =	simm.s32 $0xFFFFFFFF;
	p2 =	slt.u32 s8, $0xFFFFF086  }
0x1c: {  	p1 =	slt.u32 s9, $0xF7A;
	s5 =	simm.s32 @!p2 $0x0  }
0x1d: {  	s5 =	simm.s32 @p1 $0x1;
	p0 =	seq.s32 s7, s2  }
0x1e: {  	s7 =	smul.u32 @!p0 $0xF7A, s2;
	p2 =	seq.s32 @!p0 s5, $0x0  }
0x1f: {  	s9 =	smul.u32 $0xF7A, s1;
	s8 =	simm.s32 @!p0 $0x1BF5;
	p2 =	por !p2, p0  }
0x20: {  	[sflag:s8] =	ssyncset.s32 @!p0 $0xFFFFF086;
	s6 =	sadd.s32 @!p0 s3, s7;
	s7 =	simm.s32 @!p0 $0x108  }
0x21: {  	s3 =	sadd.s32 s3, s9;
	s6 =	sadd.s32 @!p0 $0x88, s6;
	s7 =	simm.s32 @p2 $0x1082  }
0x22: {  	[simem:s7], [sflag:s8] =	dma.local @!p0 [hbm:s6], $0xF7A  }
0x23: {  	s9 =	sor.u32 $0xD0000000, s2;
	s6 =	simm.s32 $0x108;
	_ =	swait.ge @!p0 [sflag:s8], $0x0  }
0x24: {  	s3 =	sadd.s32 $0x88, s3;
	s6 =	simm.s32 @!p1 $0x1082;
	[sflag:s4] =	ssyncset.s32 $0xFFFFF086  }
0x25: {  	[simem:s6], [sflag:s4] =	dma.local [hbm:s3], $0xF7A  }
0x26: {  	[smem:$0x3F9F] =	sst s1;
	(tag) =	ssettag s2;
	_ =	strace s9  }
0x27: {  	s1 =	sld [smem:$0x3FAF]  }
0x28: {  	s2 =	sld [smem:$0x3FB0]  }
0x29: {  	s4 =	sld [smem:$0x3FB2]  }
0x2a: {  	p0 =	seq.s32 s5, $0x0;
	s5 =	sld [smem:$0x3FB3]  }
0x2b: {  	s6 =	sld [smem:$0x3FB4]  }
0x2c: {  	s7 =	sld [smem:$0x3FB5]  }
0x2d: {  	s3 =	simm.s32 $0x108;
	s8 =	sld [smem:$0x3FB6]  }
0x2e: {  	s3 =	simm.s32 @!p0 $0x1082;
	s9 =	sld [smem:$0x3FB7]  }
0x2f: {  	lr =	sadd.s32 s0, s3;
	s0 =	sld [smem:$0x3FAE]  }
0x30: {  	s3 =	sld [smem:$0x3FB1]  }
0x31: {  	[smem:$0x3FBA] =	sst s10  }
0x32: {  	s10 =	sld [smem:$0x3FB8];
	_ =	sdelay $0x3  }
0x33: {  	p0 =	seq.s32 s10, $0x1;
	s10 =	sld [smem:$0x3FBA];
	_ =	sdelay $0x3  }
0x34: {  	[smem:$0x3FBA] =	sst s10  }
0x35: {  	s10 =	sld [smem:$0x3FB9];
	_ =	sdelay $0x3  }
0x36: {  	p1 =	seq.s32 s10, $0x1;
	s10 =	sld [smem:$0x3FBA];
	_ =	sdelay $0x3  }
0x37: {  	[smem:$0x3FBA] =	sst s10  }
0x38: {  	s10 =	sld [smem:$0x3FBB]  }
0x39: {  	_ = 	snop;
	(pc) =	sbr.ind lr, $3  }
0x3a: {  	_ = 	snop  }
0x3b: {  	_ = 	snop  }
0x3c: {  	p2 =	seq.s32 s10, $0x1;
	s10 =	sld [smem:$0x3FBA]  }
0x3d: {  	_ =	shalt  }
0x3e: {  	_ =	shalt  }
0x3f: {  	_ =	shalt  }
0x40: {  	_ =	shalt  }
0x41: {  	_ =	shalt  }
0x42: {  	_ =	shalt  }
0x43: {  	_ =	shalt  }
0x44: {  	_ =	shalt  }
0x45: {  	_ =	shalt  }
0x46: {  	_ =	shalt  }
0x47: {  	_ =	shalt  }
0x48: {  	_ =	shalt  }
0x49: {  	_ =	shalt  }
0x4a: {  	_ =	shalt  }
0x4b: {  	_ =	shalt  }
0x4c: {  	_ =	shalt  }
0x4d: {  	_ =	shalt  }
0x4e: {  	_ =	shalt  }
0x4f: {  	_ =	shalt  }
0x50: {  	_ =	shalt  }
0x51: {  	_ =	shalt  }
0x52: {  	_ =	shalt  }
0x53: {  	_ =	shalt  }
0x54: {  	_ =	shalt  }
0x55: {  	_ =	shalt  }
0x56: {  	_ =	shalt  }
0x57: {  	_ =	shalt  }
0x58: {  	_ =	shalt  }
0x59: {  	_ =	shalt  }
0x5a: {  	_ =	shalt  }
0x5b: {  	_ =	shalt  }
0x5c: {  	_ =	shalt  }
0x5d: {  	_ =	shalt  }
0x5e: {  	_ =	shalt  }
0x5f: {  	_ =	shalt  }
0x60: {  	_ =	shalt  }
0x61: {  	_ =	shalt  }
0x62: {  	_ =	shalt  }
0x63: {  	_ =	shalt  }
0x64: {  	_ =	shalt  }
0x65: {  	_ =	shalt  }
0x66: {  	_ =	shalt  }
0x67: {  	_ =	shalt  }
0x68: {  	_ =	shalt  }
0x69: {  	_ =	shalt  }
0x6a: {  	_ =	shalt  }
0x6b: {  	_ =	shalt  }
0x6c: {  	_ =	shalt  }
0x6d: {  	_ =	shalt  }
0x6e: {  	_ =	shalt  }
0x6f: {  	_ =	shalt  }
0x70: {  	_ =	shalt  }
0x71: {  	_ =	shalt  }
0x72: {  	_ =	shalt  }
0x73: {  	_ =	shalt  }
0x74: {  	_ =	shalt  }
0x75: {  	_ =	shalt  }
0x76: {  	_ =	shalt  }
0x77: {  	_ =	shalt  }
0x78: {  	_ =	shalt  }
0x79: {  	_ =	shalt  }
0x7a: {  	_ =	shalt  }
0x7b: {  	_ =	shalt  }
0x7c: {  	_ =	shalt  }
0x7d: {  	_ =	shalt  }
0x7e: {  	_ =	shalt  }
0x7f: {  	_ =	shalt  }
0x80: {  	_ =	shalt  }
0x81: {  	_ =	shalt  }
0x82: {  	_ =	shalt  }
0x83: {  	_ =	shalt  }
0x84: {  	_ =	shalt  }
0x85: {  	_ =	shalt  }
0x86: {  	_ =	shalt  }
0x87: {  	_ =	shalt  }
.Lfunc_end0:
.L_simem_size_0:
called_computation_lowered:
.L_overlay_start_0:
0x88: {  	s2 =	sld [smem:$0x3FD9]  }
0x89: {  	s3 =	sld [smem:$0x3FFE];
	_ =	sdelay $0x1  }
0x8a: {  	s1 =	srdreg.scid  }
0x8b: {  	s0 =	sand.u32 $0x1, s1  }
0x8c: {  	s17 =	sshll.u32 s0, $0xA;
	s2 =	sadd.s32 s3, s2  }
0x8d: {  	s2 =	sadd.s32 s2, s17  }
0x8e: {  	[smem:$0x3FC6] =	sst s2  }
0x8f: {  	_ = 	snop  }
0x90: {  	s2 =	sld [smem:$0x3FC8]  }
0x91: {  	s18 =	sld [smem:$0x3FD0];
	(tm) =	ssettm $0x1  }
0x92: {  	s4 =	sld [smem:$0x3FFB];
	_ =	sdelay $0x3  }
0x93: {  	_ =	strace s4  }
0x94: {  	s4 =	sld [smem:$0x3FFC];
	_ =	sdelay $0x3  }
0x95: {  	_ =	strace s4  }
0x96: {  	s4 =	sld [smem:$0x3FFD];
	_ =	sdelay $0x3  }
0x97: {  	_ =	strace s4  }
0x98: {  	_ =	strace $0x8FFFFFFF  }
0x99: {  	s19 =	sld [smem:$0x3FDB];
	_ =	sdelay $0x1  }
0x9a: {  	s5 =	simm.s32 $_scs_section_size  }
0x9b: {  	s6 =	simm.s32 $_size__tile_overlayer_lowered;
	s7 =	simm.s32 $_tile_overlayer_lowered  }
0x9c: {  	s22 =	simm.s32 $0x1BFF;
	s21 =	sshll.u32 s7, $0x1;
	s4 =	sadd.s32 s5, s19  }
0x9d: {  	s8 =	simm.s32 $0x0;
	s20 =	sshll.u32 s6, $0x1;
	s6 =	sadd.s32 s21, s4  }
0x9e: {  	[timem:s8], [sflag:s22] =	dma.local [hbm:s6], s20  }
0x9f: {  	_ =	swait.ge [sflag:s22], s20  }
0xa0: {  	s5 =	ssub.s32 $0x0, s20;
	[sflag:s22] =	ssyncset.done $0x0  }
0xa1: {  	[sflag:s22] =	ssyncadd.s32 s5;
	_ =	sdelay $0x1  }
0xa2: {  	s23 =	simm.s32 $0x1B8B  }
0xa3: {  	_ =	swait.ge [sflag:s23], $0x1  }
0xa4: {  	[sflag:s23] =	ssyncset.done $0x0  }
0xa5: {  	s25 =	simm.s32 $0x1B8E;
	s24 =	sld [smem:$0x3FFE];
	[sflag:s23] =	ssyncadd.s32 $0xFFFFFFFF  }
0xa6: {  	s26 =	simm.s32 $execute0_lowered;
	[smem:$0x3FD2] =	sst s25  }
0xa7: {  	s6 =	sshll.u32 s26, $0x1;
	_ =	strace $0x80000046;
	[dreg:$0x1] =	wrdreg $0xFFFFFFFF  }
0xa8: {  	s28 =	simm.s32 $_size_execute0_lowered;
	s4 =	sadd.s32 s4, s6;
	[dreg:$0x0] =	wrdreg $0x0  }
0xa9: {  	s6 =	sshll.u32 s28, $0x1;
	[dreg:$0x2] =	wrdreg s4  }
0xaa: {  	[dreg:$0x3] =	wrdreg s6  }
0xab: {  	[dreg:$0x4] =	wrdreg $0xC0  }
0xac: {  	_ =	task [dreg:s8], $0x5FFFF  }
0xad: {  	[dreg:$0x1] =	wrdreg $0xFFFFFFFF  }
0xae: {  	[dreg:$0x0] =	wrdreg $0x60  }
0xaf: {  	[dreg:$0x2] =	wrdreg s24  }
0xb0: {  	[dreg:$0x3] =	wrdreg s2  }
0xb1: {  	[dreg:$0x4] =	wrdreg s18  }
0xb2: {  	[dreg:$0x5] =	wrdreg $0x9  }
0xb3: {  	_ =	task.clear_ibuf [dreg:s8], $0x6FFFF;
	_ =	strace $0x90000046  }
0xb4: {  	s29 =	simm.s32 $0x9;
	_ =	strace $0x80000048  }
0xb5: {  	_ =	swait.ge [sflag:s29], $0x1  }
0xb6: {  	[sflag:s29] =	ssyncadd.s32 $0xFFFFFFFF  }
0xb7: {  	_ =	strace $0x90000048  }
0xb8: {  	_ =	sfence  }
0xb9: {  	s30 =	sld [smem:$0x0];
	_ =	sdelay $0x2  }
0xba: {  	s31 =	sshll.u32 s1, $0xD;
	s1 =	sshrl.u32 s1, $0x2  }
0xbb: {  	s3 =	sand.u32 $0x4000, s31;
	s1 =	sadd.s32 s1, s30  }
0xbc: {  	s0 =	sor.u32 s3, s0;
	s1 =	sshll.u32 s1, $0x11  }
0xbd: {  	s0 =	sor.u32 s1, s0  }
0xbe: {  	s0 =	sadd.s32 $0x8F2B, s0  }
0xbf: {  	[sflag:s0] =	ssyncadd.remote.s32 $0x1  }
0xc0: {  	_ =	sfence.sel $0xFFFF  }
0xc1: {  	[dreg:$0x0] =	wrdreg $0xFFFFFFFF;
	(pc) =	sbr.abs _section_cstart, $3  }
0xc2: {  	[dreg:$0x1] =	wrdreg $0xFFFFFFFF  }
0xc3: {  	_ =	task.clear_ibuf [dreg:s8], $0x2FFFF;
	_ =	strace $0x9FFFFFFF  }
0xc4: {  	(tm) =	ssettm $0x7FFFFFFF  }
0xc5: {  	_ =	shalt  }
tec
execute0_lowered:
.L_overlay_start_1:
0x0: {  	(tag) =	ssettag $0x1  }
0x1: {  	s4 =	rddreg [dreg:$0x0]  }
0x2: {  	s1 =	srdreg.scid;
	s2 =	rddreg [dreg:$0x1]  }
0x3: {  	s0 =	stileid.u32;
	s6 =	rddreg [dreg:$0x2]  }
0x4: {  	s3 =	simm.s32 $0x0;
	s12 =	simm.s32 $0x0;
	s5 =	sand.u32 $0x1, s1  }
0x5: {  	s30 =	sshll.u32 s0, $0x1;
	s1 =	rddreg [dreg:$0x3];
	s9 =	smul.u32 $0x1A000, s0  }
0x6: {  	[smem:$0x7FF] =	sst s3;
	s7 =	sor.u32 s5, s30;
	s11 =	smul.u32 $0xD000, s5  }
0x7: {  	s8 =	ssub.s32 $0x2, s5;
	_ =	strace $0x80000047;
	s7 =	smul.u32 $0x1A0, s7  }
0x8: {  	s10 =	sshrl.u32 s8, $0x1;
	s6 =	sadd.s32 s9, s6;
	s9 =	simm.s32 $0x1  }
0x9: {  	s31 =	ssub.s32 s8, s10;
	s6 =	sadd.s32 s11, s6;
	s8 =	simm.s32 $0xD00  }
0xa: {  	s10 =	simm.s32 $0x2;
	s11 =	simm.s32 $0x80;
	s4 =	sadd.s32 s7, s4  }
0xb: {  	s5 =	smax.u32 s31, $0x1;
	s7 =	simm.s32 $0x3;
	s4 =	sadd.s32 $0x400, s4  }
.LBB2_1:
0xc: {  	[tilespmem:s3], [sflag:$0x3] =	stream.linear.gather [hbm4b:s4+s3], $0xD00, $0x38;
	[tilespmem:$0xCD00] =	vst v63  }
0xd: {  	_ =	swait.ge [sflag:s7], $0xD00  }
0xe: {  	s13 =	simm.s32 $0x80;
	[sflag:s7] =	ssyncset.done $0x0  }
0xf: {  	s14 =	smov.u32 s6;
	s15 =	simm.s32 $0x0;
	[sflag:s7] =	ssyncadd.s32 $0xFFFFF300  }
0x10: {  	[tilespmem:s8], [sflag:$0x1] =	stream.indirect.gather [hbm4b:s2+s11], $0x80, s3, s11, $0xb8;
	[tilespmem:$0xCD00] =	vst v63  }
.LBB2_2:
0x11: {  	p0 =	slt.u32 s15, $0x2  }
0x12: {  	s18 =	simm.s32 @!p0 $0x2  }
0x13: {  	s17 =	smul.u32 $0xAB, s15;
	p1 =	seq.s32 @!p0 s15, $0x19;
	_ =	swait.ge @!p0 [sflag:s18], $0x4000  }
0x14: {  	p1 =	por p0, !p1;
	[sflag:s18] =	ssyncset.done @!p0 $0x0  }
0x15: {  	[sflag:s18] =	ssyncadd.s32 @!p0 $0xFFFFC000;
	s18 =	sadd.s32 @p1 $0xAB, s17  }
0x16: {  	s18 =	sshrl.u32 @p1 s18, $0x9  }
0x17: {  	s18 =	sand.u32 @p1 $0x7F, s18  }
0x18: {  	s18 =	smul.u32 @p1 $0x3, s18  }
0x19: {  	s16 =	sadd.s32 $0x1, s15;
	s17 =	sshrl.u32 s17, $0x9  }
0x1a: {  	s17 =	sand.u32 $0x7F, s17;
	s18 =	ssub.s32 @p1 s16, s18  }
0x1b: {  	s17 =	smul.u32 $0x3, s17;
	s18 =	sand.u32 @p1 $0xFF, s18  }
0x1c: {  	s18 =	sshll.u32 @p1 s18, $0xE  }
0x1d: {  	p0 =	sne.s32 s16, $0x1A;
	s31 =	ssub.s32 s15, s17;
	s18 =	sor.u32 @p1 $0xD00, s18  }
0x1e: {  	[tilespmem:s18], [sflag:$0x1] =	stream.indirect.gather @p1 [hbm4b:s2+s11], $0x80, s13, s11, $0xb8;
	[tilespmem:$0xCD00] =	vst v63  }
.Ltmp0:
0x1f: {  	s15 =	sand.u32 $0xFF, s31;
	_ =	swait.ge [sflag:s9], $0x4000;
	(pc) =	sbr.rel @p0 .LBB2_2-.Ltmp0, $4  }
0x20: {  	s15 =	sshll.u32 s15, $0xE;
	[sflag:s9] =	ssyncset.done $0x0  }
0x21: {  	s15 =	sor.u32 $0xD00, s15;
	[sflag:s9] =	ssyncadd.s32 $0xFFFFC000  }
0x22: {  	[hbm4b:s14+s3] =	stream.linear.scatter [tilespmem:s15], [sflag:$0x2], $0x4000, $0x38;
	[tilespmem:$0xCD00] =	vst v63  }
0x23: {  	s13 =	sadd.s32 $0x80, s13;
	s14 =	sadd.s32 $0x800, s14;
	s15 =	smov.u32 s16  }
0x24: {  	s12 =	sadd.s32 $0x1, s12  }
0x25: {  	_ =	swait.ge [sflag:s10], $0x4000;
	p0 =	sne.s32 s12, s5  }
.Ltmp1:
0x26: {  	[sflag:s10] =	ssyncset.done $0x0;
	(pc) =	sbr.rel @p0 .LBB2_1-.Ltmp1, $4  }
0x27: {  	[sflag:s10] =	ssyncadd.s32 $0xFFFFC000  }
0x28: {  	_ =	swait.ge [sflag:s10], $0x4000  }
0x29: {  	[sflag:s10] =	ssyncset.done $0x0  }
0x2a: {  	[sflag:s10] =	ssyncadd.s32 $0xFFFFC000  }
0x2b: {  	_ =	sfence.sel $0x180000  }
0x2c: {  	[bflag:$0x0] =	sbarrier.arrive $0xFFFF  }
0x2d: {  	p0 =	sne.s32 s0, $0x0;
	_ =	strace $0x90000047  }
0x2e: {  	s0 =	sadd.s32 @!p0 $0x100000, s1;
	[bflag:$0x2] =	sbarrier.arrive $0xFFFF  }
0x2f: {  	[sflag:s0] =	ssyncadd.tile.s32 @!p0 $0x1;
	_ =	shalt  }
.Lfunc_end2:
_tile_overlayer_lowered:
.L_overlay_start_2:
0x30: {  	(tag) =	ssettag $0x2  }
0x31: {  	s0 =	rddreg [dreg:$0x0];
	s2 =	stileid.u32  }
0x32: {  	s1 =	rddreg [dreg:$0x1];
	p0 =	sne.s32 s2, $0x0  }
0x33: {  	s3 =	rddreg [dreg:$0x2];
	[bflag:$0x3] =	sbarrier.arrive $0xFFFF;
	s2 =	simm.s32 @!p0 $0x1C03  }
0x34: {  	[timem:s3], [sflag:s2] =	dma.local @!p0 [hbm:s0], s1  }
0x35: {  	s0 =	simm.s32 @!p0 $0x3  }
0x36: {  	_ =	swait.ge @!p0 [sflag:s0], s1  }
0x37: {  	s1 =	ssub.s32 @!p0 $0x0, s1;
	[sflag:s0] =	ssyncset.done @!p0 $0x0  }
0x38: {  	[sflag:s0] =	ssyncadd.s32 @!p0 s1  }
0x39: {  	[bflag:$0x3] =	sbarrier.arrive $0xFFFF  }
0x3a: {  	_ =	shalt  }

</sc_bundles>
